<compile_context>
chip_gen: v7x
topology: tpu7x:2x2x1
jax: 0.10.2.dev20260603
libtpu: 0.0.44.dev20260713+nightly
codegen_flags: <defaults>
</compile_context>

<pallas_src>
import functools

import jax
import jax.numpy as jnp
from jax import lax
from jax.experimental import pallas as pl
from jax.experimental.pallas import tpu as pltpu
from jax.experimental.pallas import tpu_sc as plsc

_HASH = 256
_H = 224
_W = 224
_B = 4
_D = 128
_Y_CHUNK = 32
_NC = 2
_NS = 16
_NW = _NC * _NS
_Y_PER_W = _H // _NW


def _tc_body(table_ref, out_ref):
    block = table_ref[...]
    out_ref[...] = jnp.broadcast_to(block[None], out_ref.shape)


def _sc_lookup(table_hbm, out_hbm, buf):
    c = lax.axis_index("c")
    s = lax.axis_index("s")
    wid = s * _NC + c

    def body(j, carry):
        y = wid * _Y_PER_W + j
        pltpu.sync_copy(table_hbm.at[pl.ds(y * _HASH, _W)], buf)
        pltpu.sync_copy(buf, out_hbm.at[pl.ds(y * _W, _W)])
        return carry

    lax.fori_loop(0, _Y_PER_W, body, 0)


def kernel(batch_size, h, w, spatial_embed):
    table = spatial_embed.reshape(_HASH, _HASH, _D)
    out_tc = pl.pallas_call(
        _tc_body,
        grid=(_H // _Y_CHUNK,),
        in_specs=[pl.BlockSpec((_Y_CHUNK, _W, _D), lambda y: (y, 0, 0))],
        out_specs=pl.BlockSpec((_B - 1, _Y_CHUNK, _W, _D), lambda y: (0, y, 0, 0)),
        out_shape=jax.ShapeDtypeStruct((_B - 1, _H, _W, _D), jnp.float32),
        compiler_params=pltpu.CompilerParams(
            vmem_limit_bytes=100 * 1024 * 1024,
        ),
    )(table)

    run = functools.partial(
        pl.kernel,
        mesh=plsc.VectorSubcoreMesh(core_axis_name="c", subcore_axis_name="s"),
        out_type=jax.ShapeDtypeStruct((_H * _W, _D), jnp.float32),
        scratch_types=[pltpu.VMEM((_W, _D), jnp.float32)],
    )(_sc_lookup)
    out_sc = run(spatial_embed)

    return jnp.concatenate(
        [out_tc.reshape(_B - 1, _H * _W, _D), out_sc[None]], axis=0
    )

# --- scband reference (transcript-rebuilt; emitter-appended) ---
"""Pipeline reference for scband-hash-based-spatial-encoding-4002909520766 (READ-ONLY COPY).

The authoritative reference and input builder live on the scoring server;
editing this copy changes nothing except your own understanding.
"""

import jax, jax.numpy as jnp
import numpy as np

HASH_SIZE = 256
D_MODEL = 128

def setup_inputs(seed: int = 0) -> dict:
    key = jax.random.key(seed)
    spatial_embed = jax.random.normal(key, (HASH_SIZE * HASH_SIZE, D_MODEL), dtype=jnp.float32)
    return {"batch_size": 4, "h": 224, "w": 224, "spatial_embed": spatial_embed}

def reference(batch_size, h, w, spatial_embed):
    B, H, W = 4, 224, 224
    grid_h = jnp.arange(H)
    grid_w = jnp.arange(W)
    grid_y, grid_x = jnp.meshgrid(grid_h, grid_w, indexing="ij")
    grid_y = grid_y % HASH_SIZE
    grid_x = grid_x % HASH_SIZE
    indices = grid_y * HASH_SIZE + grid_x
    embeddings = jnp.take(spatial_embed, indices.reshape(-1), axis=0)
    embeddings = embeddings.reshape(1, H * W, -1)
    embeddings = jnp.broadcast_to(embeddings, (B, H * W, embeddings.shape[-1]))
    dep = ((jnp.asarray(batch_size) + jnp.asarray(h) + jnp.asarray(w)) * 0).astype(embeddings.dtype)
    embeddings = embeddings + dep
    return embeddings

if __name__ == "__main__":
    import jax
    _d = setup_inputs()
    print(jax.jit(kernel)(*tuple(_d.values())))

</pallas_src>

<mosaic_0001>
#map = affine_map<(d0, d1) -> (0, 0)>
module attributes {stable_mosaic.version = 14 : i64} {
  func.func @_sc_lookup(%arg0: i32, %arg1: i32, %arg2: memref<65536x128xf32, #tpu.memory_space<hbm>>, %arg3: memref<50176x128xf32, #tpu.memory_space<hbm>>, %arg4: memref<224x128xf32, #tpu.memory_space<vmem>>) attributes {dimension_semantics = [#tpu.dimension_semantics<core_parallel>, #tpu.dimension_semantics<subcore_parallel>], iteration_bounds = array<i64: 2, 16>, scalar_prefetch = 0 : i64, scratch_operands = 1 : i64, tpu.core_type = #tpu.core_type<sc_vector_subcore>, window_params = [{transform_indices = #map}, {transform_indices = #map}]} {
    %mul3A = arith.constant 2 : i32
    %mul3A_0 = arith.muli %arg1, %mul3A : i32
    %add3A = arith.addi %mul3A_0, %arg0 : i32
    %scan3A = arith.constant 0 : i32
    %scan3A_1 = arith.constant 0 : i32
    %scan3A_2 = arith.constant 7 : i32
    %scan3A_3 = arith.addi %scan3A_1, %scan3A_2 : i32
    %scan3A_4 = arith.constant 1 : i32
    scf.for %scan3A_6 = %scan3A_1 to %scan3A_3 step %scan3A_4  : i32 {
      %mul3A_7 = arith.constant 7 : i32
      %mul3A_8 = arith.muli %add3A, %mul3A_7 : i32
      %add3A_9 = arith.addi %mul3A_8, %scan3A_6 : i32
      %mul3A_10 = arith.constant 256 : i32
      %mul3A_11 = arith.muli %add3A_9, %mul3A_10 : i32
      "tpu.region"() ({
        %run_scoped3A = tpu.sem_alloc : memref<!tpu.dma_semaphore, #tpu.memory_space<semaphore_mem>>
        %dma_start3A = arith.constant 0 : i32
        %dma_start3A_14 = tpu.memref_slice %arg2[%mul3A_11, %dma_start3A] : memref<65536x128xf32, #tpu.memory_space<hbm>> -> memref<224x128xf32, #tpu.memory_space<hbm>>
        %dma_start3A_15 = arith.constant 0 : i32
        %dma_start3A_16 = tpu.memref_slice %arg2[%mul3A_11, %dma_start3A_15] : memref<65536x128xf32, #tpu.memory_space<hbm>> -> memref<224x128xf32, #tpu.memory_space<hbm>>
        tpu.enqueue_dma source(%dma_start3A_16 : memref<224x128xf32, #tpu.memory_space<hbm>>) target(%arg4 : memref<224x128xf32, #tpu.memory_space<vmem>>) target_semaphore(%run_scoped3A : memref<!tpu.dma_semaphore, #tpu.memory_space<semaphore_mem>>)
        %dma_wait3A = arith.constant 0 : i32
        %dma_wait3A_17 = tpu.memref_slice %arg2[%mul3A_11, %dma_wait3A] : memref<65536x128xf32, #tpu.memory_space<hbm>> -> memref<224x128xf32, #tpu.memory_space<hbm>>
        %dma_wait3A_18 = arith.constant 0 : i32
        %dma_wait3A_19 = tpu.memref_slice %arg2[%mul3A_11, %dma_wait3A_18] : memref<65536x128xf32, #tpu.memory_space<hbm>> -> memref<224x128xf32, #tpu.memory_space<hbm>>
        tpu.wait_dma2 semaphore(%run_scoped3A : memref<!tpu.dma_semaphore, #tpu.memory_space<semaphore_mem>>) src(%dma_wait3A_19 : memref<224x128xf32, #tpu.memory_space<hbm>>) dst(%arg4 : memref<224x128xf32, #tpu.memory_space<vmem>>)
        tpu.yield
      }) : () -> ()
      %mul3A_12 = arith.constant 224 : i32
      %mul3A_13 = arith.muli %add3A_9, %mul3A_12 : i32
      "tpu.region"() ({
        %run_scoped3A = tpu.sem_alloc : memref<!tpu.dma_semaphore, #tpu.memory_space<semaphore_mem>>
        %dma_start3A = arith.constant 0 : i32
        %dma_start3A_14 = tpu.memref_slice %arg3[%mul3A_13, %dma_start3A] : memref<50176x128xf32, #tpu.memory_space<hbm>> -> memref<224x128xf32, #tpu.memory_space<hbm>>
        %dma_start3A_15 = arith.constant 0 : i32
        %dma_start3A_16 = tpu.memref_slice %arg3[%mul3A_13, %dma_start3A_15] : memref<50176x128xf32, #tpu.memory_space<hbm>> -> memref<224x128xf32, #tpu.memory_space<hbm>>
        tpu.enqueue_dma source(%arg4 : memref<224x128xf32, #tpu.memory_space<vmem>>) target(%dma_start3A_16 : memref<224x128xf32, #tpu.memory_space<hbm>>) target_semaphore(%run_scoped3A : memref<!tpu.dma_semaphore, #tpu.memory_space<semaphore_mem>>)
        %dma_wait3A = arith.constant 0 : i32
        %dma_wait3A_17 = tpu.memref_slice %arg3[%mul3A_13, %dma_wait3A] : memref<50176x128xf32, #tpu.memory_space<hbm>> -> memref<224x128xf32, #tpu.memory_space<hbm>>
        %dma_wait3A_18 = arith.constant 0 : i32
        %dma_wait3A_19 = tpu.memref_slice %arg3[%mul3A_13, %dma_wait3A_18] : memref<50176x128xf32, #tpu.memory_space<hbm>> -> memref<224x128xf32, #tpu.memory_space<hbm>>
        tpu.wait_dma2 semaphore(%run_scoped3A : memref<!tpu.dma_semaphore, #tpu.memory_space<semaphore_mem>>) src(%arg4 : memref<224x128xf32, #tpu.memory_space<vmem>>) dst(%dma_wait3A_19 : memref<224x128xf32, #tpu.memory_space<hbm>>)
        tpu.yield
      }) : () -> ()
    }
    %scan3A_5 = arith.constant 7 : i32
    return
  }
}

module attributes {stable_mosaic.version = 14 : i64} {
  func.func @_tc_body(%arg0: i32, %arg1: memref<32x224x128xf32, #tpu.memory_space<vmem>>, %arg2: memref<3x32x224x128xf32, #tpu.memory_space<vmem>>) attributes {dimension_semantics = [#tpu.dimension_semantics<arbitrary>], iteration_bounds = array<i64: 7>, scalar_prefetch = 0 : i64, scratch_operands = 0 : i64, tpu.core_type = #tpu.core_type<tc>, window_params = [{transform_indices = @transform_0, window_bounds = array<i64: 32, 224, 128>}, {transform_indices = @transform_1, window_bounds = array<i64: 3, 32, 224, 128>}]} {
    %get3A = arith.constant 0 : index
    %get3A_0 = arith.constant 0 : index
    %get3A_1 = arith.constant 0 : index
    %get3A_2 = vector.load %arg1[%get3A, %get3A_0, %get3A_1] : memref<32x224x128xf32, #tpu.memory_space<vmem>>, vector<32x224x128xf32>
    %broadcast_in_dim3A = vector.shape_cast %get3A_2 : vector<32x224x128xf32> to vector<1x32x224x128xf32>
    %broadcast_in_dim3A_3 = vector.shape_cast %broadcast_in_dim3A : vector<1x32x224x128xf32> to vector<1x32x224x128xf32>
    %broadcast_in_dim3A_4 = vector.broadcast %broadcast_in_dim3A_3 : vector<1x32x224x128xf32> to vector<3x32x224x128xf32>
    %swap3A = arith.constant 0 : index
    %swap3A_5 = arith.constant 0 : index
    %swap3A_6 = arith.constant 0 : index
    %swap3A_7 = arith.constant 0 : index
    %swap3A_8 = vector.load %arg2[%swap3A, %swap3A_5, %swap3A_6, %swap3A_7] : memref<3x32x224x128xf32, #tpu.memory_space<vmem>>, vector<3x32x224x128xf32>
    tpu.vector_store %arg2[%swap3A, %swap3A_5, %swap3A_6, %swap3A_7], %broadcast_in_dim3A_4 {strides = array<i32>} : memref<3x32x224x128xf32, #tpu.memory_space<vmem>>, vector<3x32x224x128xf32>,
    return
  }
  func.func @transform_0(%arg0: i32) -> (i32, i32, i32) {
    %c0_i32 = arith.constant 0 : i32
    %c0_i32_0 = arith.constant 0 : i32
    %c0_i32_1 = arith.constant 0 : i32
    return %arg0, %c0_i32, %c0_i32_0 : i32, i32, i32
  }
  func.func @transform_1(%arg0: i32) -> (i32, i32, i32, i32) {
    %c0_i32 = arith.constant 0 : i32
    %c0_i32_0 = arith.constant 0 : i32
    %c0_i32_1 = arith.constant 0 : i32
    %c0_i32_2 = arith.constant 0 : i32
    return %c0_i32, %arg0, %c0_i32_0, %c0_i32_1 : i32, i32, i32, i32
  }
}

</mosaic_0001>

<sc_bundles>
// kernel: kernel.4.cloned.1.call-start
scs
__scs_entry_jumppad:
0x0: {  	(pc) =	sbr.rel $0x88, $3  }
0x1: {  	(tag) =	ssettag $0x0;
	lr =	simm.s32 $0x1  }
0x2: {  	[smem:$0x3FA0] =	sst lr;
	_ =	strace $0xD0000000  }
0x3: {  	_ = 	snop  }
0x4: {  	_ = 	snop  }
0x5: {  	_ = 	snop  }
0x6: {  	_ = 	snop  }
0x7: {  	_ = 	snop  }
__scs_overlays_trampoline_lowered:
0x8: {  	[smem:$0x3FAF] =	sst s0  }
0x9: {  	[smem:$0x3FB0] =	sst s1  }
0xa: {  	[smem:$0x3FB1] =	sst s2  }
0xb: {  	[smem:$0x3FB2] =	sst s3  }
0xc: {  	[smem:$0x3FB3] =	sst s4  }
0xd: {  	[smem:$0x3FB4] =	sst s5  }
0xe: {  	[smem:$0x3FB5] =	sst s6  }
0xf: {  	[smem:$0x3FB6] =	sst s7  }
0x10: {  	[smem:$0x3FB7] =	sst s8  }
0x11: {  	[smem:$0x3FB8] =	sst s9;
	s0 =	simm.s32 @!p0 $0x0  }
0x12: {  	s1 =	sld [smem:$0x3F9E];
	s0 =	simm.s32 @p0 $0x1  }
0x13: {  	[smem:$0x3FB9] =	sst s0;
	s0 =	simm.s32 @!p1 $0x0  }
0x14: {  	s2 =	sld [smem:$0x3F9D];
	s0 =	simm.s32 @p1 $0x1  }
0x15: {  	[smem:$0x3FBA] =	sst s0;
	s0 =	simm.s32 @!p2 $0x0  }
0x16: {  	s3 =	sld [smem:$0x3FDB];
	s0 =	simm.s32 @p2 $0x1  }
0x17: {  	s4 =	simm.s32 $0x1BF5;
	[smem:$0x3FBC] =	sst s0  }
0x18: {  	s0 =	sld [smem:$0x3F9F];
	_ =	swait.ge [sflag:s4], $0x0  }
0x19: {  	s7 =	sld [smem:$0x3FA0]  }
0x1a: {  	s8 =	sadd.s32 $0xFFFFE003, lr  }
0x1b: {  	s9 =	sadd.s32 $0xFFFFFEF7, lr;
	s5 =	simm.s32 $0xFFFFFFFF;
	p2 =	slt.u32 s8, $0xFFFFF086  }
0x1c: {  	p1 =	slt.u32 s9, $0xF7A;
	s5 =	simm.s32 @!p2 $0x0  }
0x1d: {  	s5 =	simm.s32 @p1 $0x1;
	p0 =	seq.s32 s7, s2  }
0x1e: {  	s7 =	smul.u32 @!p0 $0xF7A, s2;
	p2 =	seq.s32 @!p0 s5, $0x0  }
0x1f: {  	s9 =	smul.u32 $0xF7A, s1;
	s8 =	simm.s32 @!p0 $0x1BF5;
	p2 =	por !p2, p0  }
0x20: {  	[sflag:s8] =	ssyncset.s32 @!p0 $0xFFFFF086;
	s6 =	sadd.s32 @!p0 s3, s7;
	s7 =	simm.s32 @!p0 $0x108  }
0x21: {  	s3 =	sadd.s32 s3, s9;
	s6 =	sadd.s32 @!p0 $0x88, s6;
	s7 =	simm.s32 @p2 $0x1082  }
0x22: {  	[simem:s7], [sflag:s8] =	dma.local @!p0 [hbm:s6], $0xF7A  }
0x23: {  	s9 =	sor.u32 $0xD0000000, s2;
	s6 =	simm.s32 $0x108;
	_ =	swait.ge @!p0 [sflag:s8], $0x0  }
0x24: {  	s3 =	sadd.s32 $0x88, s3;
	s6 =	simm.s32 @!p1 $0x1082;
	[sflag:s4] =	ssyncset.s32 $0xFFFFF086  }
0x25: {  	[simem:s6], [sflag:s4] =	dma.local [hbm:s3], $0xF7A  }
0x26: {  	[smem:$0x3FA0] =	sst s1;
	(tag) =	ssettag s2;
	_ =	strace s9  }
0x27: {  	s1 =	sld [smem:$0x3FB0]  }
0x28: {  	s2 =	sld [smem:$0x3FB1]  }
0x29: {  	s4 =	sld [smem:$0x3FB3]  }
0x2a: {  	p0 =	seq.s32 s5, $0x0;
	s5 =	sld [smem:$0x3FB4]  }
0x2b: {  	s6 =	sld [smem:$0x3FB5]  }
0x2c: {  	s7 =	sld [smem:$0x3FB6]  }
0x2d: {  	s3 =	simm.s32 $0x108;
	s8 =	sld [smem:$0x3FB7]  }
0x2e: {  	s3 =	simm.s32 @!p0 $0x1082;
	s9 =	sld [smem:$0x3FB8]  }
0x2f: {  	lr =	sadd.s32 s0, s3;
	s0 =	sld [smem:$0x3FAF]  }
0x30: {  	s3 =	sld [smem:$0x3FB2]  }
0x31: {  	[smem:$0x3FBB] =	sst s10  }
0x32: {  	s10 =	sld [smem:$0x3FB9];
	_ =	sdelay $0x3  }
0x33: {  	p0 =	seq.s32 s10, $0x1;
	s10 =	sld [smem:$0x3FBB];
	_ =	sdelay $0x3  }
0x34: {  	[smem:$0x3FBB] =	sst s10  }
0x35: {  	s10 =	sld [smem:$0x3FBA];
	_ =	sdelay $0x3  }
0x36: {  	p1 =	seq.s32 s10, $0x1;
	s10 =	sld [smem:$0x3FBB];
	_ =	sdelay $0x3  }
0x37: {  	[smem:$0x3FBB] =	sst s10  }
0x38: {  	s10 =	sld [smem:$0x3FBC]  }
0x39: {  	_ = 	snop;
	(pc) =	sbr.ind lr, $3  }
0x3a: {  	_ = 	snop  }
0x3b: {  	_ = 	snop  }
0x3c: {  	p2 =	seq.s32 s10, $0x1;
	s10 =	sld [smem:$0x3FBB]  }
0x3d: {  	_ =	shalt  }
0x3e: {  	_ =	shalt  }
0x3f: {  	_ =	shalt  }
0x40: {  	_ =	shalt  }
0x41: {  	_ =	shalt  }
0x42: {  	_ =	shalt  }
0x43: {  	_ =	shalt  }
0x44: {  	_ =	shalt  }
0x45: {  	_ =	shalt  }
0x46: {  	_ =	shalt  }
0x47: {  	_ =	shalt  }
0x48: {  	_ =	shalt  }
0x49: {  	_ =	shalt  }
0x4a: {  	_ =	shalt  }
0x4b: {  	_ =	shalt  }
0x4c: {  	_ =	shalt  }
0x4d: {  	_ =	shalt  }
0x4e: {  	_ =	shalt  }
0x4f: {  	_ =	shalt  }
0x50: {  	_ =	shalt  }
0x51: {  	_ =	shalt  }
0x52: {  	_ =	shalt  }
0x53: {  	_ =	shalt  }
0x54: {  	_ =	shalt  }
0x55: {  	_ =	shalt  }
0x56: {  	_ =	shalt  }
0x57: {  	_ =	shalt  }
0x58: {  	_ =	shalt  }
0x59: {  	_ =	shalt  }
0x5a: {  	_ =	shalt  }
0x5b: {  	_ =	shalt  }
0x5c: {  	_ =	shalt  }
0x5d: {  	_ =	shalt  }
0x5e: {  	_ =	shalt  }
0x5f: {  	_ =	shalt  }
0x60: {  	_ =	shalt  }
0x61: {  	_ =	shalt  }
0x62: {  	_ =	shalt  }
0x63: {  	_ =	shalt  }
0x64: {  	_ =	shalt  }
0x65: {  	_ =	shalt  }
0x66: {  	_ =	shalt  }
0x67: {  	_ =	shalt  }
0x68: {  	_ =	shalt  }
0x69: {  	_ =	shalt  }
0x6a: {  	_ =	shalt  }
0x6b: {  	_ =	shalt  }
0x6c: {  	_ =	shalt  }
0x6d: {  	_ =	shalt  }
0x6e: {  	_ =	shalt  }
0x6f: {  	_ =	shalt  }
0x70: {  	_ =	shalt  }
0x71: {  	_ =	shalt  }
0x72: {  	_ =	shalt  }
0x73: {  	_ =	shalt  }
0x74: {  	_ =	shalt  }
0x75: {  	_ =	shalt  }
0x76: {  	_ =	shalt  }
0x77: {  	_ =	shalt  }
0x78: {  	_ =	shalt  }
0x79: {  	_ =	shalt  }
0x7a: {  	_ =	shalt  }
0x7b: {  	_ =	shalt  }
0x7c: {  	_ =	shalt  }
0x7d: {  	_ =	shalt  }
0x7e: {  	_ =	shalt  }
0x7f: {  	_ =	shalt  }
0x80: {  	_ =	shalt  }
0x81: {  	_ =	shalt  }
0x82: {  	_ =	shalt  }
0x83: {  	_ =	shalt  }
0x84: {  	_ =	shalt  }
0x85: {  	_ =	shalt  }
0x86: {  	_ =	shalt  }
0x87: {  	_ =	shalt  }
.Lfunc_end0:
.L_simem_size_0:
called_computation_lowered:
.L_overlay_start_0:
0x88: {  	s2 =	sld [smem:$0x3FD9]  }
0x89: {  	s3 =	sld [smem:$0x3FFE];
	_ =	sdelay $0x1  }
0x8a: {  	s1 =	srdreg.scid  }
0x8b: {  	s0 =	sand.u32 $0x1, s1  }
0x8c: {  	s17 =	sshll.u32 s0, $0xA;
	s2 =	sadd.s32 s3, s2  }
0x8d: {  	s2 =	sadd.s32 s2, s17  }
0x8e: {  	[smem:$0x3FC7] =	sst s2  }
0x8f: {  	_ = 	snop  }
0x90: {  	s2 =	sld [smem:$0x3FC9];
	(tm) =	ssettm $0x1  }
0x91: {  	s18 =	sld [smem:$0x3FFB];
	_ =	sdelay $0x3  }
0x92: {  	_ =	strace s18  }
0x93: {  	s3 =	sld [smem:$0x3FFC];
	_ =	sdelay $0x3  }
0x94: {  	_ =	strace s3  }
0x95: {  	s3 =	sld [smem:$0x3FFD];
	_ =	sdelay $0x3  }
0x96: {  	_ =	strace s3  }
0x97: {  	_ =	strace $0x8FFFFFFF  }
0x98: {  	s19 =	sld [smem:$0x3FDB];
	_ =	sdelay $0x1  }
0x99: {  	s4 =	simm.s32 $_scs_section_size  }
0x9a: {  	s5 =	simm.s32 $_size__tile_overlayer_lowered;
	s6 =	simm.s32 $_tile_overlayer_lowered  }
0x9b: {  	s22 =	simm.s32 $0x1BFF;
	s21 =	sshll.u32 s6, $0x1;
	s3 =	sadd.s32 s4, s19  }
0x9c: {  	s7 =	simm.s32 $0x0;
	s20 =	sshll.u32 s5, $0x1;
	s5 =	sadd.s32 s21, s3  }
0x9d: {  	[timem:s7], [sflag:s22] =	dma.local [hbm:s5], s20  }
0x9e: {  	_ =	swait.ge [sflag:s22], s20  }
0x9f: {  	s4 =	ssub.s32 $0x0, s20;
	[sflag:s22] =	ssyncset.done $0x0  }
0xa0: {  	[sflag:s22] =	ssyncadd.s32 s4;
	_ =	sdelay $0x1  }
0xa1: {  	s23 =	simm.s32 $0x1B8B  }
0xa2: {  	_ =	swait.ge [sflag:s23], $0x1  }
0xa3: {  	[sflag:s23] =	ssyncset.done $0x0  }
0xa4: {  	s25 =	simm.s32 $0x1B8E;
	s24 =	sld [smem:$0x3FFE];
	[sflag:s23] =	ssyncadd.s32 $0xFFFFFFFF  }
0xa5: {  	s26 =	simm.s32 $execute0_lowered;
	[smem:$0x3FD2] =	sst s25  }
0xa6: {  	s5 =	sshll.u32 s26, $0x1;
	_ =	strace $0x80000046;
	[dreg:$0x1] =	wrdreg $0xFFFFFFFF  }
0xa7: {  	s28 =	simm.s32 $_size_execute0_lowered;
	s3 =	sadd.s32 s3, s5;
	[dreg:$0x0] =	wrdreg $0x0  }
0xa8: {  	s5 =	sshll.u32 s28, $0x1;
	[dreg:$0x2] =	wrdreg s3  }
0xa9: {  	[dreg:$0x3] =	wrdreg s5  }
0xaa: {  	[dreg:$0x4] =	wrdreg $0xC0  }
0xab: {  	_ =	task [dreg:s7], $0x5FFFF  }
0xac: {  	[dreg:$0x1] =	wrdreg $0xFFFFFFFF  }
0xad: {  	[dreg:$0x0] =	wrdreg $0x60  }
0xae: {  	[dreg:$0x2] =	wrdreg s2  }
0xaf: {  	[dreg:$0x3] =	wrdreg s24  }
0xb0: {  	[dreg:$0x4] =	wrdreg $0x9  }
0xb1: {  	_ =	task.clear_ibuf [dreg:s7], $0x5FFFF;
	_ =	strace $0x90000046  }
0xb2: {  	s29 =	simm.s32 $0x9;
	_ =	strace $0x80000048  }
0xb3: {  	_ =	swait.ge [sflag:s29], $0x1  }
0xb4: {  	[sflag:s29] =	ssyncadd.s32 $0xFFFFFFFF  }
0xb5: {  	_ =	strace $0x90000048  }
0xb6: {  	_ =	sfence  }
0xb7: {  	s30 =	sld [smem:$0x0];
	_ =	sdelay $0x2  }
0xb8: {  	s31 =	sshll.u32 s1, $0xD;
	s1 =	sshrl.u32 s1, $0x2  }
0xb9: {  	s3 =	sand.u32 $0x4000, s31;
	s1 =	sadd.s32 s1, s30  }
0xba: {  	s0 =	sor.u32 s3, s0;
	s1 =	sshll.u32 s1, $0x11  }
0xbb: {  	s0 =	sor.u32 s1, s0  }
0xbc: {  	s0 =	sadd.s32 $0x8F2B, s0  }
0xbd: {  	[sflag:s0] =	ssyncadd.remote.s32 $0x1  }
0xbe: {  	_ =	sfence.sel $0xFFFF  }
0xbf: {  	[dreg:$0x0] =	wrdreg $0xFFFFFFFF;
	(pc) =	sbr.abs _section_cstart, $3  }
0xc0: {  	[dreg:$0x1] =	wrdreg $0xFFFFFFFF  }
0xc1: {  	_ =	task.clear_ibuf [dreg:s7], $0x2FFFF;
	_ =	strace $0x9FFFFFFF  }
0xc2: {  	(tm) =	ssettm $0x7FFFFFFF  }
0xc3: {  	_ =	shalt  }
tec
execute0_lowered:
.L_overlay_start_1:
0x0: {  	(tag) =	ssettag $0x1  }
0x1: {  	s1 =	srdreg.scid;
	s0 =	stileid.u32  }
0x2: {  	s8 =	rddreg [dreg:$0x0];
	s16 =	sand.u32 $0x1, s1;
	s26 =	sshll.u32 s0, $0x1  }
0x3: {  	s5 =	rddreg [dreg:$0x1];
	s6 =	sor.u32 s16, s26  }
0x4: {  	s2 =	simm.s32 $0x0;
	s1 =	rddreg [dreg:$0x2];
	s3 =	smul.u32 $0x7000, s6  }
0x5: {  	[smem:$0x7FF] =	sst s2  }
0x6: {  	_ =	strace $0x80000047;
	s4 =	sadd.s32 s8, s3;
	s3 =	simm.s32 $0x1  }
0x7: {  	[tilespmem:s2], [sflag:$0x1] =	stream.linear.gather [hbm4b:s4+s2], $0x7000, $0x38;
	[tilespmem:$0x7000] =	vst v63  }
0x8: {  	s7 =	smul.u32 $0x6200, s6;
	_ =	swait.ge [sflag:s3], $0x7000  }
0x9: {  	s9 =	sadd.s32 $0x400, s5;
	[sflag:s3] =	ssyncset.done $0x0  }
0xa: {  	s10 =	smul.u32 $0x7, s6;
	s5 =	sadd.s32 s9, s7;
	[sflag:s3] =	ssyncadd.s32 $0xFFFF9000  }
0xb: {  	[hbm4b:s5+s2] =	stream.linear.scatter [tilespmem:s2], [sflag:$0x1], $0x7000, $0x38;
	[tilespmem:$0x7000] =	vst v63  }
0xc: {  	s28 =	sadd.s32 $0x1, s10;
	_ =	swait.ge [sflag:s3], $0x7000  }
0xd: {  	s29 =	sshll.u32 s28, $0xC;
	[sflag:s3] =	ssyncset.done $0x0  }
0xe: {  	s6 =	sadd.s32 s8, s29;
	[sflag:s3] =	ssyncadd.s32 $0xFFFF9000  }
0xf: {  	[tilespmem:s2], [sflag:$0x1] =	stream.linear.gather [hbm4b:s6+s2], $0x7000, $0x38;
	[tilespmem:$0x7000] =	vst v63  }
0x10: {  	s7 =	smul.u32 $0xE00, s28;
	_ =	swait.ge [sflag:s3], $0x7000  }
0x11: {  	[sflag:s3] =	ssyncset.done $0x0  }
0x12: {  	s7 =	sadd.s32 s9, s7;
	[sflag:s3] =	ssyncadd.s32 $0xFFFF9000  }
0x13: {  	[hbm4b:s7+s2] =	stream.linear.scatter [tilespmem:s2], [sflag:$0x1], $0x7000, $0x38;
	[tilespmem:$0x7000] =	vst v63  }
0x14: {  	s30 =	sshll.u32 s10, $0xC;
	_ =	swait.ge [sflag:s3], $0x7000  }
0x15: {  	s17 =	sadd.s32 s8, s30;
	[sflag:s3] =	ssyncset.done $0x0  }
0x16: {  	s8 =	sadd.s32 $0x2000, s17;
	[sflag:s3] =	ssyncadd.s32 $0xFFFF9000  }
0x17: {  	[tilespmem:s2], [sflag:$0x1] =	stream.linear.gather [hbm4b:s8+s2], $0x7000, $0x38;
	[tilespmem:$0x7000] =	vst v63  }
0x18: {  	_ =	swait.ge [sflag:s3], $0x7000  }
0x19: {  	[sflag:s3] =	ssyncset.done $0x0  }
0x1a: {  	s9 =	sadd.s32 $0x1C00, s5;
	[sflag:s3] =	ssyncadd.s32 $0xFFFF9000  }
0x1b: {  	[hbm4b:s9+s2] =	stream.linear.scatter [tilespmem:s2], [sflag:$0x1], $0x7000, $0x38;
	[tilespmem:$0x7000] =	vst v63  }
0x1c: {  	_ =	swait.ge [sflag:s3], $0x7000  }
0x1d: {  	[sflag:s3] =	ssyncset.done $0x0  }
0x1e: {  	s10 =	sadd.s32 $0x3000, s17;
	[sflag:s3] =	ssyncadd.s32 $0xFFFF9000  }
0x1f: {  	[tilespmem:s2], [sflag:$0x1] =	stream.linear.gather [hbm4b:s10+s2], $0x7000, $0x38;
	[tilespmem:$0x7000] =	vst v63  }
0x20: {  	_ =	swait.ge [sflag:s3], $0x7000  }
0x21: {  	[sflag:s3] =	ssyncset.done $0x0  }
0x22: {  	s11 =	sadd.s32 $0x2A00, s5;
	[sflag:s3] =	ssyncadd.s32 $0xFFFF9000  }
0x23: {  	[hbm4b:s11+s2] =	stream.linear.scatter [tilespmem:s2], [sflag:$0x1], $0x7000, $0x38;
	[tilespmem:$0x7000] =	vst v63  }
0x24: {  	_ =	swait.ge [sflag:s3], $0x7000  }
0x25: {  	[sflag:s3] =	ssyncset.done $0x0  }
0x26: {  	s12 =	sadd.s32 $0x4000, s17;
	[sflag:s3] =	ssyncadd.s32 $0xFFFF9000  }
0x27: {  	[tilespmem:s2], [sflag:$0x1] =	stream.linear.gather [hbm4b:s12+s2], $0x7000, $0x38;
	[tilespmem:$0x7000] =	vst v63  }
0x28: {  	_ =	swait.ge [sflag:s3], $0x7000  }
0x29: {  	[sflag:s3] =	ssyncset.done $0x0  }
0x2a: {  	s13 =	sadd.s32 $0x3800, s5;
	[sflag:s3] =	ssyncadd.s32 $0xFFFF9000  }
0x2b: {  	[hbm4b:s13+s2] =	stream.linear.scatter [tilespmem:s2], [sflag:$0x1], $0x7000, $0x38;
	[tilespmem:$0x7000] =	vst v63  }
0x2c: {  	_ =	swait.ge [sflag:s3], $0x7000  }
0x2d: {  	[sflag:s3] =	ssyncset.done $0x0  }
0x2e: {  	s14 =	sadd.s32 $0x5000, s17;
	[sflag:s3] =	ssyncadd.s32 $0xFFFF9000  }
0x2f: {  	[tilespmem:s2], [sflag:$0x1] =	stream.linear.gather [hbm4b:s14+s2], $0x7000, $0x38;
	[tilespmem:$0x7000] =	vst v63  }
0x30: {  	_ =	swait.ge [sflag:s3], $0x7000  }
0x31: {  	[sflag:s3] =	ssyncset.done $0x0  }
0x32: {  	s18 =	ssub.s32 $0x2, s16;
	s15 =	sadd.s32 $0x4600, s5;
	[sflag:s3] =	ssyncadd.s32 $0xFFFF9000  }
0x33: {  	[hbm4b:s15+s2] =	stream.linear.scatter [tilespmem:s2], [sflag:$0x1], $0x7000, $0x38;
	[tilespmem:$0x7000] =	vst v63  }
0x34: {  	s31 =	sshrl.u32 s18, $0x1;
	_ =	swait.ge [sflag:s3], $0x7000  }
0x35: {  	s16 =	sadd.s32 $0x6000, s17;
	s17 =	ssub.s32 s18, s31;
	[sflag:s3] =	ssyncset.done $0x0  }
0x36: {  	s18 =	smax.u32 s17, $0x1;
	[sflag:s3] =	ssyncadd.s32 $0xFFFF9000  }
0x37: {  	[tilespmem:s2], [sflag:$0x1] =	stream.linear.gather [hbm4b:s16+s2], $0x7000, $0x38;
	[tilespmem:$0x7000] =	vst v63  }
0x38: {  	p0 =	sne.s32 s18, $0x1;
	_ =	swait.ge [sflag:s3], $0x7000  }
.Ltmp0:
0x39: {  	[sflag:s3] =	ssyncset.done $0x0;
	(pc) =	sbr.rel @!p0 .LBB2_2-.Ltmp0, $4  }
0x3a: {  	s17 =	sadd.s32 $0x5400, s5;
	[sflag:s3] =	ssyncadd.s32 $0xFFFF9000  }
0x3b: {  	[hbm4b:s17+s2] =	stream.linear.scatter [tilespmem:s2], [sflag:$0x1], $0x7000, $0x38;
	[tilespmem:$0x7000] =	vst v63  }
0x3c: {  	_ =	swait.ge [sflag:s3], $0x7000  }
0x3d: {  	s18 =	sadd.s32 $0xFFFFFFFF, s18;
	[sflag:s3] =	ssyncset.done $0x0  }
.LBB2_1:
0x3e: {  	p0 =	sne.s32 s18, $0x1;
	s18 =	sadd.s32 $0xFFFFFFFF, s18;
	[sflag:s3] =	ssyncadd.s32 $0xFFFF9000  }
0x3f: {  	[tilespmem:s2], [sflag:$0x1] =	stream.linear.gather [hbm4b:s4+s2], $0x7000, $0x38;
	[tilespmem:$0x7000] =	vst v63  }
0x40: {  	_ =	swait.ge [sflag:s3], $0x7000  }
0x41: {  	[sflag:s3] =	ssyncset.done $0x0  }
0x42: {  	[sflag:s3] =	ssyncadd.s32 $0xFFFF9000  }
0x43: {  	[hbm4b:s5+s2] =	stream.linear.scatter [tilespmem:s2], [sflag:$0x1], $0x7000, $0x38;
	[tilespmem:$0x7000] =	vst v63  }
0x44: {  	_ =	swait.ge [sflag:s3], $0x7000  }
0x45: {  	[sflag:s3] =	ssyncset.done $0x0  }
0x46: {  	[sflag:s3] =	ssyncadd.s32 $0xFFFF9000  }
0x47: {  	[tilespmem:s2], [sflag:$0x1] =	stream.linear.gather [hbm4b:s6+s2], $0x7000, $0x38;
	[tilespmem:$0x7000] =	vst v63  }
0x48: {  	_ =	swait.ge [sflag:s3], $0x7000  }
0x49: {  	[sflag:s3] =	ssyncset.done $0x0  }
0x4a: {  	[sflag:s3] =	ssyncadd.s32 $0xFFFF9000  }
0x4b: {  	[hbm4b:s7+s2] =	stream.linear.scatter [tilespmem:s2], [sflag:$0x1], $0x7000, $0x38;
	[tilespmem:$0x7000] =	vst v63  }
0x4c: {  	_ =	swait.ge [sflag:s3], $0x7000  }
0x4d: {  	[sflag:s3] =	ssyncset.done $0x0  }
0x4e: {  	[sflag:s3] =	ssyncadd.s32 $0xFFFF9000  }
0x4f: {  	[tilespmem:s2], [sflag:$0x1] =	stream.linear.gather [hbm4b:s8+s2], $0x7000, $0x38;
	[tilespmem:$0x7000] =	vst v63  }
0x50: {  	_ =	swait.ge [sflag:s3], $0x7000  }
0x51: {  	[sflag:s3] =	ssyncset.done $0x0  }
0x52: {  	[sflag:s3] =	ssyncadd.s32 $0xFFFF9000  }
0x53: {  	[hbm4b:s9+s2] =	stream.linear.scatter [tilespmem:s2], [sflag:$0x1], $0x7000, $0x38;
	[tilespmem:$0x7000] =	vst v63  }
0x54: {  	_ =	swait.ge [sflag:s3], $0x7000  }
0x55: {  	[sflag:s3] =	ssyncset.done $0x0  }
0x56: {  	[sflag:s3] =	ssyncadd.s32 $0xFFFF9000  }
0x57: {  	[tilespmem:s2], [sflag:$0x1] =	stream.linear.gather [hbm4b:s10+s2], $0x7000, $0x38;
	[tilespmem:$0x7000] =	vst v63  }
0x58: {  	_ =	swait.ge [sflag:s3], $0x7000  }
0x59: {  	[sflag:s3] =	ssyncset.done $0x0  }
0x5a: {  	[sflag:s3] =	ssyncadd.s32 $0xFFFF9000  }
0x5b: {  	[hbm4b:s11+s2] =	stream.linear.scatter [tilespmem:s2], [sflag:$0x1], $0x7000, $0x38;
	[tilespmem:$0x7000] =	vst v63  }
0x5c: {  	_ =	swait.ge [sflag:s3], $0x7000  }
0x5d: {  	[sflag:s3] =	ssyncset.done $0x0  }
0x5e: {  	[sflag:s3] =	ssyncadd.s32 $0xFFFF9000  }
0x5f: {  	[tilespmem:s2], [sflag:$0x1] =	stream.linear.gather [hbm4b:s12+s2], $0x7000, $0x38;
	[tilespmem:$0x7000] =	vst v63  }
0x60: {  	_ =	swait.ge [sflag:s3], $0x7000  }
0x61: {  	[sflag:s3] =	ssyncset.done $0x0  }
0x62: {  	[sflag:s3] =	ssyncadd.s32 $0xFFFF9000  }
0x63: {  	[hbm4b:s13+s2] =	stream.linear.scatter [tilespmem:s2], [sflag:$0x1], $0x7000, $0x38;
	[tilespmem:$0x7000] =	vst v63  }
0x64: {  	_ =	swait.ge [sflag:s3], $0x7000  }
0x65: {  	[sflag:s3] =	ssyncset.done $0x0  }
0x66: {  	[sflag:s3] =	ssyncadd.s32 $0xFFFF9000  }
0x67: {  	[tilespmem:s2], [sflag:$0x1] =	stream.linear.gather [hbm4b:s14+s2], $0x7000, $0x38;
	[tilespmem:$0x7000] =	vst v63  }
0x68: {  	_ =	swait.ge [sflag:s3], $0x7000  }
0x69: {  	[sflag:s3] =	ssyncset.done $0x0  }
0x6a: {  	[sflag:s3] =	ssyncadd.s32 $0xFFFF9000  }
0x6b: {  	[hbm4b:s15+s2] =	stream.linear.scatter [tilespmem:s2], [sflag:$0x1], $0x7000, $0x38;
	[tilespmem:$0x7000] =	vst v63  }
0x6c: {  	_ =	swait.ge [sflag:s3], $0x7000  }
0x6d: {  	[sflag:s3] =	ssyncset.done $0x0  }
0x6e: {  	[sflag:s3] =	ssyncadd.s32 $0xFFFF9000  }
0x6f: {  	[tilespmem:s2], [sflag:$0x1] =	stream.linear.gather [hbm4b:s16+s2], $0x7000, $0x38;
	[tilespmem:$0x7000] =	vst v63  }
0x70: {  	_ =	swait.ge [sflag:s3], $0x7000  }
.Ltmp1:
0x71: {  	[sflag:s3] =	ssyncset.done $0x0;
	(pc) =	sbr.rel @p0 .LBB2_1-.Ltmp1, $4  }
0x72: {  	[sflag:s3] =	ssyncadd.s32 $0xFFFF9000  }
0x73: {  	[hbm4b:s17+s2] =	stream.linear.scatter [tilespmem:s2], [sflag:$0x1], $0x7000, $0x38;
	[tilespmem:$0x7000] =	vst v63  }
0x74: {  	_ =	swait.ge [sflag:s3], $0x7000  }
0x75: {  	[sflag:s3] =	ssyncset.done $0x0  }
.LBB2_2:
0x76: {  	[sflag:s3] =	ssyncadd.s32 $0xFFFF9000  }
0x77: {  	_ =	sfence.sel $0x180000  }
0x78: {  	[bflag:$0x0] =	sbarrier.arrive $0xFFFF  }
0x79: {  	p0 =	sne.s32 s0, $0x0;
	_ =	strace $0x90000047  }
0x7a: {  	s0 =	sadd.s32 @!p0 $0x100000, s1;
	[bflag:$0x2] =	sbarrier.arrive $0xFFFF  }
0x7b: {  	[sflag:s0] =	ssyncadd.tile.s32 @!p0 $0x1;
	_ =	shalt  }
.Lfunc_end2:
_tile_overlayer_lowered:
.L_overlay_start_2:
0x7c: {  	(tag) =	ssettag $0x2  }
0x7d: {  	s0 =	rddreg [dreg:$0x0];
	s2 =	stileid.u32  }
0x7e: {  	s1 =	rddreg [dreg:$0x1];
	p0 =	sne.s32 s2, $0x0  }
0x7f: {  	s3 =	rddreg [dreg:$0x2];
	[bflag:$0x3] =	sbarrier.arrive $0xFFFF;
	s2 =	simm.s32 @!p0 $0x1C01  }
0x80: {  	[timem:s3], [sflag:s2] =	dma.local @!p0 [hbm:s0], s1  }
0x81: {  	s0 =	simm.s32 @!p0 $0x1  }
0x82: {  	_ =	swait.ge @!p0 [sflag:s0], s1  }
0x83: {  	s1 =	ssub.s32 @!p0 $0x0, s1;
	[sflag:s0] =	ssyncset.done @!p0 $0x0  }
0x84: {  	[sflag:s0] =	ssyncadd.s32 @!p0 s1  }
0x85: {  	[bflag:$0x3] =	sbarrier.arrive $0xFFFF  }
0x86: {  	_ =	shalt  }

</sc_bundles>
